<compile_context>
chip_gen: v7x
topology: tpu7x:2x2x1
jax: 0.10.2.dev20260603
libtpu: 0.0.44.dev20260713+nightly
codegen_flags: <defaults>
</compile_context>

<pallas_src>
import functools

import jax
import jax.numpy as jnp
from jax import lax
from jax.experimental import pallas as pl
from jax.experimental.pallas import tpu as pltpu
from jax.experimental.pallas import tpu_sc as plsc

_F_BLOCK = 1024
_LANES = 16


def _coef_sc_kernel(S, K, E, se_ref, rw_ref, out_ref, se_v, rw_v, coef_v):
    cid = lax.axis_index("c")
    sid = lax.axis_index("s")

    @pl.when(jnp.logical_and(cid == 0, sid == 0))
    def _():
        pltpu.sync_copy(se_ref, se_v)
        pltpu.sync_copy(rw_ref, rw_v)
        nh = S // _LANES
        se_chunks = [se_v[pl.ds(i * _LANES, _LANES)] for i in range(K * nh)]
        rw_chunks = [rw_v[pl.ds(i * _LANES, _LANES)] for i in range(K * nh)]
        zero = jnp.zeros((_LANES,), jnp.float32)
        for e in range(E):
            for h in range(nh):
                acc = zero
                for k in range(K):
                    c = k * nh + h
                    acc = acc + jnp.where(se_chunks[c] == e, rw_chunks[c], 0.0)
                coef_v[pl.ds((e * S) + _LANES * h, _LANES)] = acc
        pltpu.sync_copy(coef_v, out_ref)


def _routing_coef(se_flat, rw_flat, E):
    S, K = se_flat.shape
    se_t = se_flat.T.reshape(-1)
    rw_t = rw_flat.T.reshape(-1)
    mesh = plsc.VectorSubcoreMesh(core_axis_name="c", subcore_axis_name="s")
    coef = pl.kernel(
        functools.partial(_coef_sc_kernel, S, K, E),
        mesh=mesh,
        out_type=jax.ShapeDtypeStruct((E * S,), jnp.float32),
        scratch_types=[
            pltpu.VMEM((S * K,), jnp.int32),
            pltpu.VMEM((S * K,), jnp.float32),
            pltpu.VMEM((E * S,), jnp.float32),
        ],
    )(se_t, rw_t)
    return coef.reshape(E, S)


def _ffn_kernel(x_ref, w1_ref, w2_ref, o_ref):
    fb = pl.program_id(1)

    h = jnp.dot(x_ref[:, :], w1_ref[0], preferred_element_type=jnp.float32)
    h = h * jax.nn.sigmoid(h)
    o = jnp.dot(h, w2_ref[0], preferred_element_type=jnp.float32)

    @pl.when(fb == 0)
    def _init():
        o_ref[0, :, :] = jnp.zeros_like(o_ref[0])

    o_ref[0, :, :] += o


def _combine_kernel(E, coef_ref, oall_ref, o_ref):
    acc = oall_ref[0] * coef_ref[0, :][:, None]
    for e in range(1, E):
        acc = acc + oall_ref[e] * coef_ref[e, :][:, None]
    o_ref[:, :] = acc


def kernel(x, routing_weights, selected_experts, w1, w2):
    shape = x.shape
    D = shape[-1]
    K = routing_weights.shape[-1]
    x_flat = x.reshape(-1, D)
    rw_flat = routing_weights.reshape(-1, K).astype(jnp.float32)
    se_flat = selected_experts.reshape(-1, K).astype(jnp.int32)
    S = x_flat.shape[0]
    E, _, F = w1.shape
    nf = F // _F_BLOCK

    coef = _routing_coef(se_flat, rw_flat, E)

    o_all = pl.pallas_call(
        _ffn_kernel,
        grid=(E, nf),
        in_specs=[
            pl.BlockSpec((S, D), lambda e, fb: (0, 0)),
            pl.BlockSpec((1, D, _F_BLOCK), lambda e, fb: (e, 0, fb)),
            pl.BlockSpec((1, _F_BLOCK, D), lambda e, fb: (e, fb, 0)),
        ],
        out_specs=pl.BlockSpec((1, S, D), lambda e, fb: (e, 0, 0)),
        out_shape=jax.ShapeDtypeStruct((E, S, D), jnp.float32),
    )(x_flat, w1, w2)

    out = pl.pallas_call(
        functools.partial(_combine_kernel, E),
        in_specs=[
            pl.BlockSpec((E, S), lambda: (0, 0)),
            pl.BlockSpec((E, S, D), lambda: (0, 0, 0)),
        ],
        out_specs=pl.BlockSpec((S, D), lambda: (0, 0)),
        out_shape=jax.ShapeDtypeStruct((S, D), jnp.float32),
    )(coef, o_all)

    return out.reshape(shape)

# --- scband reference (transcript-rebuilt; emitter-appended) ---
"""Pipeline reference for scband-vectorized-expert-mlp-28312424415696 (READ-ONLY COPY).

The authoritative reference and input builder live on the scoring server;
editing this copy changes nothing except your own understanding.
"""

import jax, jax.numpy as jnp
import numpy as np

NUM_EXPERTS = 8
INPUT_SIZE = 1024
INTERMEDIATE_SIZE = 2048


def setup_inputs(seed: int = 0) -> dict:
    key = jax.random.key(seed)
    k_x, k_rw, k_se, k_w1, k_w2 = jax.random.split(key, 5)
    x = jax.random.normal(k_x, (32, 1, INPUT_SIZE), dtype=jnp.float32)
    routing_weights = jax.random.uniform(k_rw, (32, 1, 2), dtype=jnp.float32)
    selected_experts = jax.random.randint(k_se, (32, 1, 2), 0, NUM_EXPERTS, dtype=jnp.int64 if jax.config.jax_enable_x64 else jnp.int32)
    w1 = jax.random.normal(k_w1, (NUM_EXPERTS, INPUT_SIZE, INTERMEDIATE_SIZE), dtype=jnp.float32) * 0.02
    w2 = jax.random.normal(k_w2, (NUM_EXPERTS, INTERMEDIATE_SIZE, INPUT_SIZE), dtype=jnp.float32) * 0.02
    return {"x": x, "routing_weights": routing_weights, "selected_experts": selected_experts, "w1": w1, "w2": w2}


def reference(x, routing_weights, selected_experts, w1, w2):
    shape = x.shape
    D = shape[-1]
    K = routing_weights.shape[-1]
    x_flat = x.reshape(-1, D)
    rw_flat = routing_weights.reshape(-1, K)
    se_flat = selected_experts.reshape(-1, K)
    S = x_flat.shape[0]
    expert_inputs = jnp.broadcast_to(x_flat[:, None, :], (S, K, D))
    selected_w1 = jnp.take(w1, se_flat, axis=0)  # [S, K, D, F] gather
    selected_w2 = jnp.take(w2, se_flat, axis=0)  # [S, K, F, D] gather
    hidden = jnp.matmul(expert_inputs[:, :, None, :], selected_w1)  # [S, K, 1, F]
    hidden = jax.nn.silu(hidden)
    output = jnp.matmul(hidden, selected_w2)  # [S, K, 1, D]
    output = jnp.squeeze(output, axis=-2)
    weighted_output = output * rw_flat[:, :, None]
    return weighted_output.sum(axis=1).reshape(shape)

if __name__ == "__main__":
    import jax
    _d = setup_inputs()
    print(jax.jit(kernel)(*tuple(_d.values())))

</pallas_src>

<mosaic_0001>
#map = affine_map<(d0, d1) -> (0)>
module attributes {stable_mosaic.version = 14 : i64} {
  func.func @_coef_sc_kernel(%arg0: i32, %arg1: i32, %arg2: memref<64xi32, #tpu.memory_space<hbm>>, %arg3: memref<64xf32, #tpu.memory_space<hbm>>, %arg4: memref<256xf32, #tpu.memory_space<hbm>>, %arg5: memref<64xi32, #tpu.memory_space<vmem>>, %arg6: memref<64xf32, #tpu.memory_space<vmem>>, %arg7: memref<256xf32, #tpu.memory_space<vmem>>) attributes {dimension_semantics = [#tpu.dimension_semantics<core_parallel>, #tpu.dimension_semantics<subcore_parallel>], iteration_bounds = array<i64: 2, 16>, scalar_prefetch = 0 : i64, scratch_operands = 3 : i64, tpu.core_type = #tpu.core_type<sc_vector_subcore>, window_params = [{transform_indices = #map}, {transform_indices = #map}, {transform_indices = #map}]} {
    %eq3A = arith.constant 0 : i32
    %eq3A_0 = arith.cmpi eq, %arg0, %eq3A : i32
    %eq3A_1 = arith.constant 0 : i32
    %eq3A_2 = arith.cmpi eq, %arg1, %eq3A_1 : i32
    %and3A = arith.andi %eq3A_0, %eq3A_2 : i1
    %convert_element_type3A = arith.extui %and3A : i1 to i32
    %cond3A = arith.constant 0 : i32
    %cond3A_3 = arith.cmpi ne, %convert_element_type3A, %cond3A : i32
    scf.if %cond3A_3 {
      "tpu.region"() ({
        %run_scoped3A = tpu.sem_alloc : memref<!tpu.dma_semaphore, #tpu.memory_space<semaphore_mem>>
        tpu.enqueue_dma source(%arg2 : memref<64xi32, #tpu.memory_space<hbm>>) target(%arg5 : memref<64xi32, #tpu.memory_space<vmem>>) target_semaphore(%run_scoped3A : memref<!tpu.dma_semaphore, #tpu.memory_space<semaphore_mem>>)
        tpu.wait_dma2 semaphore(%run_scoped3A : memref<!tpu.dma_semaphore, #tpu.memory_space<semaphore_mem>>) src(%arg2 : memref<64xi32, #tpu.memory_space<hbm>>) dst(%arg5 : memref<64xi32, #tpu.memory_space<vmem>>)
        tpu.yield
      }) : () -> ()
      "tpu.region"() ({
        %run_scoped3A = tpu.sem_alloc : memref<!tpu.dma_semaphore, #tpu.memory_space<semaphore_mem>>
        tpu.enqueue_dma source(%arg3 : memref<64xf32, #tpu.memory_space<hbm>>) target(%arg6 : memref<64xf32, #tpu.memory_space<vmem>>) target_semaphore(%run_scoped3A : memref<!tpu.dma_semaphore, #tpu.memory_space<semaphore_mem>>)
        tpu.wait_dma2 semaphore(%run_scoped3A : memref<!tpu.dma_semaphore, #tpu.memory_space<semaphore_mem>>) src(%arg3 : memref<64xf32, #tpu.memory_space<hbm>>) dst(%arg6 : memref<64xf32, #tpu.memory_space<vmem>>)
        tpu.yield
      }) : () -> ()
      %get3A = arith.constant 0 : index
      %get3A_4 = tpu.vector_load %arg5[%get3A] {strides = array<i32>} : memref<64xi32, #tpu.memory_space<vmem>>, vector<16xi32>,
      %get3A_5 = vector.shape_cast %get3A_4 : vector<16xi32> to vector<16xi32>
      %get3A_6 = arith.constant 16 : index
      %get3A_7 = tpu.vector_load %arg5[%get3A_6] {strides = array<i32>} : memref<64xi32, #tpu.memory_space<vmem>>, vector<16xi32>,
      %get3A_8 = vector.shape_cast %get3A_7 : vector<16xi32> to vector<16xi32>
      %get3A_9 = arith.constant 32 : index
      %get3A_10 = tpu.vector_load %arg5[%get3A_9] {strides = array<i32>} : memref<64xi32, #tpu.memory_space<vmem>>, vector<16xi32>,
      %get3A_11 = vector.shape_cast %get3A_10 : vector<16xi32> to vector<16xi32>
      %get3A_12 = arith.constant 48 : index
      %get3A_13 = tpu.vector_load %arg5[%get3A_12] {strides = array<i32>} : memref<64xi32, #tpu.memory_space<vmem>>, vector<16xi32>,
      %get3A_14 = vector.shape_cast %get3A_13 : vector<16xi32> to vector<16xi32>
      %get3A_15 = arith.constant 0 : index
      %get3A_16 = tpu.vector_load %arg6[%get3A_15] {strides = array<i32>} : memref<64xf32, #tpu.memory_space<vmem>>, vector<16xf32>,
      %get3A_17 = vector.shape_cast %get3A_16 : vector<16xf32> to vector<16xf32>
      %get3A_18 = arith.constant 16 : index
      %get3A_19 = tpu.vector_load %arg6[%get3A_18] {strides = array<i32>} : memref<64xf32, #tpu.memory_space<vmem>>, vector<16xf32>,
      %get3A_20 = vector.shape_cast %get3A_19 : vector<16xf32> to vector<16xf32>
      %get3A_21 = arith.constant 32 : index
      %get3A_22 = tpu.vector_load %arg6[%get3A_21] {strides = array<i32>} : memref<64xf32, #tpu.memory_space<vmem>>, vector<16xf32>,
      %get3A_23 = vector.shape_cast %get3A_22 : vector<16xf32> to vector<16xf32>
      %get3A_24 = arith.constant 48 : index
      %get3A_25 = tpu.vector_load %arg6[%get3A_24] {strides = array<i32>} : memref<64xf32, #tpu.memory_space<vmem>>, vector<16xf32>,
      %get3A_26 = vector.shape_cast %get3A_25 : vector<16xf32> to vector<16xf32>
      %broadcast_in_dim3A = arith.constant 0.000000e+00 : f32
      %broadcast_in_dim3A_27 = vector.broadcast %broadcast_in_dim3A : f32 to vector<16xf32>
      %eq3A_28 = arith.constant 0 : i32
      %eq3A_29 = vector.broadcast %eq3A_28 : i32 to vector<16xi32>
      %eq3A_30 = arith.cmpi eq, %get3A_5, %eq3A_29 : vector<16xi32>
      %jit3A = arith.constant 0.000000e+00 : f32
      %broadcast_in_dim3A_31 = vector.broadcast %jit3A : f32 to vector<16xf32>
      %select_n3A = arith.select %eq3A_30, %get3A_17, %broadcast_in_dim3A_31 : vector<16xi1>, vector<16xf32>
      %add3A = arith.addf %broadcast_in_dim3A_27, %select_n3A : vector<16xf32>
      %eq3A_32 = arith.constant 0 : i32
      %eq3A_33 = vector.broadcast %eq3A_32 : i32 to vector<16xi32>
      %eq3A_34 = arith.cmpi eq, %get3A_11, %eq3A_33 : vector<16xi32>
      %jit3A_35 = arith.constant 0.000000e+00 : f32
      %broadcast_in_dim3A_36 = vector.broadcast %jit3A_35 : f32 to vector<16xf32>
      %select_n3A_37 = arith.select %eq3A_34, %get3A_23, %broadcast_in_dim3A_36 : vector<16xi1>, vector<16xf32>
      %add3A_38 = arith.addf %add3A, %select_n3A_37 : vector<16xf32>
      %swap3A = arith.constant 0 : index
      %swap3A_39 = tpu.vector_load %arg7[%swap3A] {strides = array<i32>} : memref<256xf32, #tpu.memory_space<vmem>>, vector<16xf32>,
      %swap3A_40 = vector.shape_cast %swap3A_39 : vector<16xf32> to vector<16xf32>
      %swap3A_41 = vector.shape_cast %add3A_38 : vector<16xf32> to vector<16xf32>
      tpu.vector_store %arg7[%swap3A], %swap3A_41 {strides = array<i32>} : memref<256xf32, #tpu.memory_space<vmem>>, vector<16xf32>,
      %eq3A_42 = arith.constant 0 : i32
      %eq3A_43 = vector.broadcast %eq3A_42 : i32 to vector<16xi32>
      %eq3A_44 = arith.cmpi eq, %get3A_8, %eq3A_43 : vector<16xi32>
      %jit3A_45 = arith.constant 0.000000e+00 : f32
      %broadcast_in_dim3A_46 = vector.broadcast %jit3A_45 : f32 to vector<16xf32>
      %select_n3A_47 = arith.select %eq3A_44, %get3A_20, %broadcast_in_dim3A_46 : vector<16xi1>, vector<16xf32>
      %add3A_48 = arith.addf %broadcast_in_dim3A_27, %select_n3A_47 : vector<16xf32>
      %eq3A_49 = arith.constant 0 : i32
      %eq3A_50 = vector.broadcast %eq3A_49 : i32 to vector<16xi32>
      %eq3A_51 = arith.cmpi eq, %get3A_14, %eq3A_50 : vector<16xi32>
      %jit3A_52 = arith.constant 0.000000e+00 : f32
      %broadcast_in_dim3A_53 = vector.broadcast %jit3A_52 : f32 to vector<16xf32>
      %select_n3A_54 = arith.select %eq3A_51, %get3A_26, %broadcast_in_dim3A_53 : vector<16xi1>, vector<16xf32>
      %add3A_55 = arith.addf %add3A_48, %select_n3A_54 : vector<16xf32>
      %swap3A_56 = arith.constant 16 : index
      %swap3A_57 = tpu.vector_load %arg7[%swap3A_56] {strides = array<i32>} : memref<256xf32, #tpu.memory_space<vmem>>, vector<16xf32>,
      %swap3A_58 = vector.shape_cast %swap3A_57 : vector<16xf32> to vector<16xf32>
      %swap3A_59 = vector.shape_cast %add3A_55 : vector<16xf32> to vector<16xf32>
      tpu.vector_store %arg7[%swap3A_56], %swap3A_59 {strides = array<i32>} : memref<256xf32, #tpu.memory_space<vmem>>, vector<16xf32>,
      %eq3A_60 = arith.constant 1 : i32
      %eq3A_61 = vector.broadcast %eq3A_60 : i32 to vector<16xi32>
      %eq3A_62 = arith.cmpi eq, %get3A_5, %eq3A_61 : vector<16xi32>
      %jit3A_63 = arith.constant 0.000000e+00 : f32
      %broadcast_in_dim3A_64 = vector.broadcast %jit3A_63 : f32 to vector<16xf32>
      %select_n3A_65 = arith.select %eq3A_62, %get3A_17, %broadcast_in_dim3A_64 : vector<16xi1>, vector<16xf32>
      %add3A_66 = arith.addf %broadcast_in_dim3A_27, %select_n3A_65 : vector<16xf32>
      %eq3A_67 = arith.constant 1 : i32
      %eq3A_68 = vector.broadcast %eq3A_67 : i32 to vector<16xi32>
      %eq3A_69 = arith.cmpi eq, %get3A_11, %eq3A_68 : vector<16xi32>
      %jit3A_70 = arith.constant 0.000000e+00 : f32
      %broadcast_in_dim3A_71 = vector.broadcast %jit3A_70 : f32 to vector<16xf32>
      %select_n3A_72 = arith.select %eq3A_69, %get3A_23, %broadcast_in_dim3A_71 : vector<16xi1>, vector<16xf32>
      %add3A_73 = arith.addf %add3A_66, %select_n3A_72 : vector<16xf32>
      %swap3A_74 = arith.constant 32 : index
      %swap3A_75 = tpu.vector_load %arg7[%swap3A_74] {strides = array<i32>} : memref<256xf32, #tpu.memory_space<vmem>>, vector<16xf32>,
      %swap3A_76 = vector.shape_cast %swap3A_75 : vector<16xf32> to vector<16xf32>
      %swap3A_77 = vector.shape_cast %add3A_73 : vector<16xf32> to vector<16xf32>
      tpu.vector_store %arg7[%swap3A_74], %swap3A_77 {strides = array<i32>} : memref<256xf32, #tpu.memory_space<vmem>>, vector<16xf32>,
      %eq3A_78 = arith.constant 1 : i32
      %eq3A_79 = vector.broadcast %eq3A_78 : i32 to vector<16xi32>
      %eq3A_80 = arith.cmpi eq, %get3A_8, %eq3A_79 : vector<16xi32>
      %jit3A_81 = arith.constant 0.000000e+00 : f32
      %broadcast_in_dim3A_82 = vector.broadcast %jit3A_81 : f32 to vector<16xf32>
      %select_n3A_83 = arith.select %eq3A_80, %get3A_20, %broadcast_in_dim3A_82 : vector<16xi1>, vector<16xf32>
      %add3A_84 = arith.addf %broadcast_in_dim3A_27, %select_n3A_83 : vector<16xf32>
      %eq3A_85 = arith.constant 1 : i32
      %eq3A_86 = vector.broadcast %eq3A_85 : i32 to vector<16xi32>
      %eq3A_87 = arith.cmpi eq, %get3A_14, %eq3A_86 : vector<16xi32>
      %jit3A_88 = arith.constant 0.000000e+00 : f32
      %broadcast_in_dim3A_89 = vector.broadcast %jit3A_88 : f32 to vector<16xf32>
      %select_n3A_90 = arith.select %eq3A_87, %get3A_26, %broadcast_in_dim3A_89 : vector<16xi1>, vector<16xf32>
      %add3A_91 = arith.addf %add3A_84, %select_n3A_90 : vector<16xf32>
      %swap3A_92 = arith.constant 48 : index
      %swap3A_93 = tpu.vector_load %arg7[%swap3A_92] {strides = array<i32>} : memref<256xf32, #tpu.memory_space<vmem>>, vector<16xf32>,
      %swap3A_94 = vector.shape_cast %swap3A_93 : vector<16xf32> to vector<16xf32>
      %swap3A_95 = vector.shape_cast %add3A_91 : vector<16xf32> to vector<16xf32>
      tpu.vector_store %arg7[%swap3A_92], %swap3A_95 {strides = array<i32>} : memref<256xf32, #tpu.memory_space<vmem>>, vector<16xf32>,
      %eq3A_96 = arith.constant 2 : i32
      %eq3A_97 = vector.broadcast %eq3A_96 : i32 to vector<16xi32>
      %eq3A_98 = arith.cmpi eq, %get3A_5, %eq3A_97 : vector<16xi32>
      %jit3A_99 = arith.constant 0.000000e+00 : f32
      %broadcast_in_dim3A_100 = vector.broadcast %jit3A_99 : f32 to vector<16xf32>
      %select_n3A_101 = arith.select %eq3A_98, %get3A_17, %broadcast_in_dim3A_100 : vector<16xi1>, vector<16xf32>
      %add3A_102 = arith.addf %broadcast_in_dim3A_27, %select_n3A_101 : vector<16xf32>
      %eq3A_103 = arith.constant 2 : i32
      %eq3A_104 = vector.broadcast %eq3A_103 : i32 to vector<16xi32>
      %eq3A_105 = arith.cmpi eq, %get3A_11, %eq3A_104 : vector<16xi32>
      %jit3A_106 = arith.constant 0.000000e+00 : f32
      %broadcast_in_dim3A_107 = vector.broadcast %jit3A_106 : f32 to vector<16xf32>
      %select_n3A_108 = arith.select %eq3A_105, %get3A_23, %broadcast_in_dim3A_107 : vector<16xi1>, vector<16xf32>
      %add3A_109 = arith.addf %add3A_102, %select_n3A_108 : vector<16xf32>
      %swap3A_110 = arith.constant 64 : index
      %swap3A_111 = tpu.vector_load %arg7[%swap3A_110] {strides = array<i32>} : memref<256xf32, #tpu.memory_space<vmem>>, vector<16xf32>,
      %swap3A_112 = vector.shape_cast %swap3A_111 : vector<16xf32> to vector<16xf32>
      %swap3A_113 = vector.shape_cast %add3A_109 : vector<16xf32> to vector<16xf32>
      tpu.vector_store %arg7[%swap3A_110], %swap3A_113 {strides = array<i32>} : memref<256xf32, #tpu.memory_space<vmem>>, vector<16xf32>,
      %eq3A_114 = arith.constant 2 : i32
      %eq3A_115 = vector.broadcast %eq3A_114 : i32 to vector<16xi32>
      %eq3A_116 = arith.cmpi eq, %get3A_8, %eq3A_115 : vector<16xi32>
      %jit3A_117 = arith.constant 0.000000e+00 : f32
      %broadcast_in_dim3A_118 = vector.broadcast %jit3A_117 : f32 to vector<16xf32>
      %select_n3A_119 = arith.select %eq3A_116, %get3A_20, %broadcast_in_dim3A_118 : vector<16xi1>, vector<16xf32>
      %add3A_120 = arith.addf %broadcast_in_dim3A_27, %select_n3A_119 : vector<16xf32>
      %eq3A_121 = arith.constant 2 : i32
      %eq3A_122 = vector.broadcast %eq3A_121 : i32 to vector<16xi32>
      %eq3A_123 = arith.cmpi eq, %get3A_14, %eq3A_122 : vector<16xi32>
      %jit3A_124 = arith.constant 0.000000e+00 : f32
      %broadcast_in_dim3A_125 = vector.broadcast %jit3A_124 : f32 to vector<16xf32>
      %select_n3A_126 = arith.select %eq3A_123, %get3A_26, %broadcast_in_dim3A_125 : vector<16xi1>, vector<16xf32>
      %add3A_127 = arith.addf %add3A_120, %select_n3A_126 : vector<16xf32>
      %swap3A_128 = arith.constant 80 : index
      %swap3A_129 = tpu.vector_load %arg7[%swap3A_128] {strides = array<i32>} : memref<256xf32, #tpu.memory_space<vmem>>, vector<16xf32>,
      %swap3A_130 = vector.shape_cast %swap3A_129 : vector<16xf32> to vector<16xf32>
      %swap3A_131 = vector.shape_cast %add3A_127 : vector<16xf32> to vector<16xf32>
      tpu.vector_store %arg7[%swap3A_128], %swap3A_131 {strides = array<i32>} : memref<256xf32, #tpu.memory_space<vmem>>, vector<16xf32>,
      %eq3A_132 = arith.constant 3 : i32
      %eq3A_133 = vector.broadcast %eq3A_132 : i32 to vector<16xi32>
      %eq3A_134 = arith.cmpi eq, %get3A_5, %eq3A_133 : vector<16xi32>
      %jit3A_135 = arith.constant 0.000000e+00 : f32
      %broadcast_in_dim3A_136 = vector.broadcast %jit3A_135 : f32 to vector<16xf32>
      %select_n3A_137 = arith.select %eq3A_134, %get3A_17, %broadcast_in_dim3A_136 : vector<16xi1>, vector<16xf32>
      %add3A_138 = arith.addf %broadcast_in_dim3A_27, %select_n3A_137 : vector<16xf32>
      %eq3A_139 = arith.constant 3 : i32
      %eq3A_140 = vector.broadcast %eq3A_139 : i32 to vector<16xi32>
      %eq3A_141 = arith.cmpi eq, %get3A_11, %eq3A_140 : vector<16xi32>
      %jit3A_142 = arith.constant 0.000000e+00 : f32
      %broadcast_in_dim3A_143 = vector.broadcast %jit3A_142 : f32 to vector<16xf32>
      %select_n3A_144 = arith.select %eq3A_141, %get3A_23, %broadcast_in_dim3A_143 : vector<16xi1>, vector<16xf32>
      %add3A_145 = arith.addf %add3A_138, %select_n3A_144 : vector<16xf32>
      %swap3A_146 = arith.constant 96 : index
      %swap3A_147 = tpu.vector_load %arg7[%swap3A_146] {strides = array<i32>} : memref<256xf32, #tpu.memory_space<vmem>>, vector<16xf32>,
      %swap3A_148 = vector.shape_cast %swap3A_147 : vector<16xf32> to vector<16xf32>
      %swap3A_149 = vector.shape_cast %add3A_145 : vector<16xf32> to vector<16xf32>
      tpu.vector_store %arg7[%swap3A_146], %swap3A_149 {strides = array<i32>} : memref<256xf32, #tpu.memory_space<vmem>>, vector<16xf32>,
      %eq3A_150 = arith.constant 3 : i32
      %eq3A_151 = vector.broadcast %eq3A_150 : i32 to vector<16xi32>
      %eq3A_152 = arith.cmpi eq, %get3A_8, %eq3A_151 : vector<16xi32>
      %jit3A_153 = arith.constant 0.000000e+00 : f32
      %broadcast_in_dim3A_154 = vector.broadcast %jit3A_153 : f32 to vector<16xf32>
      %select_n3A_155 = arith.select %eq3A_152, %get3A_20, %broadcast_in_dim3A_154 : vector<16xi1>, vector<16xf32>
      %add3A_156 = arith.addf %broadcast_in_dim3A_27, %select_n3A_155 : vector<16xf32>
      %eq3A_157 = arith.constant 3 : i32
      %eq3A_158 = vector.broadcast %eq3A_157 : i32 to vector<16xi32>
      %eq3A_159 = arith.cmpi eq, %get3A_14, %eq3A_158 : vector<16xi32>
      %jit3A_160 = arith.constant 0.000000e+00 : f32
      %broadcast_in_dim3A_161 = vector.broadcast %jit3A_160 : f32 to vector<16xf32>
      %select_n3A_162 = arith.select %eq3A_159, %get3A_26, %broadcast_in_dim3A_161 : vector<16xi1>, vector<16xf32>
      %add3A_163 = arith.addf %add3A_156, %select_n3A_162 : vector<16xf32>
      %swap3A_164 = arith.constant 112 : index
      %swap3A_165 = tpu.vector_load %arg7[%swap3A_164] {strides = array<i32>} : memref<256xf32, #tpu.memory_space<vmem>>, vector<16xf32>,
      %swap3A_166 = vector.shape_cast %swap3A_165 : vector<16xf32> to vector<16xf32>
      %swap3A_167 = vector.shape_cast %add3A_163 : vector<16xf32> to vector<16xf32>
      tpu.vector_store %arg7[%swap3A_164], %swap3A_167 {strides = array<i32>} : memref<256xf32, #tpu.memory_space<vmem>>, vector<16xf32>,
      %eq3A_168 = arith.constant 4 : i32
      %eq3A_169 = vector.broadcast %eq3A_168 : i32 to vector<16xi32>
      %eq3A_170 = arith.cmpi eq, %get3A_5, %eq3A_169 : vector<16xi32>
      %jit3A_171 = arith.constant 0.000000e+00 : f32
      %broadcast_in_dim3A_172 = vector.broadcast %jit3A_171 : f32 to vector<16xf32>
      %select_n3A_173 = arith.select %eq3A_170, %get3A_17, %broadcast_in_dim3A_172 : vector<16xi1>, vector<16xf32>
      %add3A_174 = arith.addf %broadcast_in_dim3A_27, %select_n3A_173 : vector<16xf32>
      %eq3A_175 = arith.constant 4 : i32
      %eq3A_176 = vector.broadcast %eq3A_175 : i32 to vector<16xi32>
      %eq3A_177 = arith.cmpi eq, %get3A_11, %eq3A_176 : vector<16xi32>
      %jit3A_178 = arith.constant 0.000000e+00 : f32
      %broadcast_in_dim3A_179 = vector.broadcast %jit3A_178 : f32 to vector<16xf32>
      %select_n3A_180 = arith.select %eq3A_177, %get3A_23, %broadcast_in_dim3A_179 : vector<16xi1>, vector<16xf32>
      %add3A_181 = arith.addf %add3A_174, %select_n3A_180 : vector<16xf32>
      %swap3A_182 = arith.constant 128 : index
      %swap3A_183 = tpu.vector_load %arg7[%swap3A_182] {strides = array<i32>} : memref<256xf32, #tpu.memory_space<vmem>>, vector<16xf32>,
      %swap3A_184 = vector.shape_cast %swap3A_183 : vector<16xf32> to vector<16xf32>
      %swap3A_185 = vector.shape_cast %add3A_181 : vector<16xf32> to vector<16xf32>
      tpu.vector_store %arg7[%swap3A_182], %swap3A_185 {strides = array<i32>} : memref<256xf32, #tpu.memory_space<vmem>>, vector<16xf32>,
      %eq3A_186 = arith.constant 4 : i32
      %eq3A_187 = vector.broadcast %eq3A_186 : i32 to vector<16xi32>
      %eq3A_188 = arith.cmpi eq, %get3A_8, %eq3A_187 : vector<16xi32>
      %jit3A_189 = arith.constant 0.000000e+00 : f32
      %broadcast_in_dim3A_190 = vector.broadcast %jit3A_189 : f32 to vector<16xf32>
      %select_n3A_191 = arith.select %eq3A_188, %get3A_20, %broadcast_in_dim3A_190 : vector<16xi1>, vector<16xf32>
      %add3A_192 = arith.addf %broadcast_in_dim3A_27, %select_n3A_191 : vector<16xf32>
      %eq3A_193 = arith.constant 4 : i32
      %eq3A_194 = vector.broadcast %eq3A_193 : i32 to vector<16xi32>
      %eq3A_195 = arith.cmpi eq, %get3A_14, %eq3A_194 : vector<16xi32>
      %jit3A_196 = arith.constant 0.000000e+00 : f32
      %broadcast_in_dim3A_197 = vector.broadcast %jit3A_196 : f32 to vector<16xf32>
      %select_n3A_198 = arith.select %eq3A_195, %get3A_26, %broadcast_in_dim3A_197 : vector<16xi1>, vector<16xf32>
      %add3A_199 = arith.addf %add3A_192, %select_n3A_198 : vector<16xf32>
      %swap3A_200 = arith.constant 144 : index
      %swap3A_201 = tpu.vector_load %arg7[%swap3A_200] {strides = array<i32>} : memref<256xf32, #tpu.memory_space<vmem>>, vector<16xf32>,
      %swap3A_202 = vector.shape_cast %swap3A_201 : vector<16xf32> to vector<16xf32>
      %swap3A_203 = vector.shape_cast %add3A_199 : vector<16xf32> to vector<16xf32>
      tpu.vector_store %arg7[%swap3A_200], %swap3A_203 {strides = array<i32>} : memref<256xf32, #tpu.memory_space<vmem>>, vector<16xf32>,
      %eq3A_204 = arith.constant 5 : i32
      %eq3A_205 = vector.broadcast %eq3A_204 : i32 to vector<16xi32>
      %eq3A_206 = arith.cmpi eq, %get3A_5, %eq3A_205 : vector<16xi32>
      %jit3A_207 = arith.constant 0.000000e+00 : f32
      %broadcast_in_dim3A_208 = vector.broadcast %jit3A_207 : f32 to vector<16xf32>
      %select_n3A_209 = arith.select %eq3A_206, %get3A_17, %broadcast_in_dim3A_208 : vector<16xi1>, vector<16xf32>
      %add3A_210 = arith.addf %broadcast_in_dim3A_27, %select_n3A_209 : vector<16xf32>
      %eq3A_211 = arith.constant 5 : i32
      %eq3A_212 = vector.broadcast %eq3A_211 : i32 to vector<16xi32>
      %eq3A_213 = arith.cmpi eq, %get3A_11, %eq3A_212 : vector<16xi32>
      %jit3A_214 = arith.constant 0.000000e+00 : f32
      %broadcast_in_dim3A_215 = vector.broadcast %jit3A_214 : f32 to vector<16xf32>
      %select_n3A_216 = arith.select %eq3A_213, %get3A_23, %broadcast_in_dim3A_215 : vector<16xi1>, vector<16xf32>
      %add3A_217 = arith.addf %add3A_210, %select_n3A_216 : vector<16xf32>
      %swap3A_218 = arith.constant 160 : index
      %swap3A_219 = tpu.vector_load %arg7[%swap3A_218] {strides = array<i32>} : memref<256xf32, #tpu.memory_space<vmem>>, vector<16xf32>,
      %swap3A_220 = vector.shape_cast %swap3A_219 : vector<16xf32> to vector<16xf32>
      %swap3A_221 = vector.shape_cast %add3A_217 : vector<16xf32> to vector<16xf32>
      tpu.vector_store %arg7[%swap3A_218], %swap3A_221 {strides = array<i32>} : memref<256xf32, #tpu.memory_space<vmem>>, vector<16xf32>,
      %eq3A_222 = arith.constant 5 : i32
      %eq3A_223 = vector.broadcast %eq3A_222 : i32 to vector<16xi32>
      %eq3A_224 = arith.cmpi eq, %get3A_8, %eq3A_223 : vector<16xi32>
      %jit3A_225 = arith.constant 0.000000e+00 : f32
      %broadcast_in_dim3A_226 = vector.broadcast %jit3A_225 : f32 to vector<16xf32>
      %select_n3A_227 = arith.select %eq3A_224, %get3A_20, %broadcast_in_dim3A_226 : vector<16xi1>, vector<16xf32>
      %add3A_228 = arith.addf %broadcast_in_dim3A_27, %select_n3A_227 : vector<16xf32>
      %eq3A_229 = arith.constant 5 : i32
      %eq3A_230 = vector.broadcast %eq3A_229 : i32 to vector<16xi32>
      %eq3A_231 = arith.cmpi eq, %get3A_14, %eq3A_230 : vector<16xi32>
      %jit3A_232 = arith.constant 0.000000e+00 : f32
      %broadcast_in_dim3A_233 = vector.broadcast %jit3A_232 : f32 to vector<16xf32>
      %select_n3A_234 = arith.select %eq3A_231, %get3A_26, %broadcast_in_dim3A_233 : vector<16xi1>, vector<16xf32>
      %add3A_235 = arith.addf %add3A_228, %select_n3A_234 : vector<16xf32>
      %swap3A_236 = arith.constant 176 : index
      %swap3A_237 = tpu.vector_load %arg7[%swap3A_236] {strides = array<i32>} : memref<256xf32, #tpu.memory_space<vmem>>, vector<16xf32>,
      %swap3A_238 = vector.shape_cast %swap3A_237 : vector<16xf32> to vector<16xf32>
      %swap3A_239 = vector.shape_cast %add3A_235 : vector<16xf32> to vector<16xf32>
      tpu.vector_store %arg7[%swap3A_236], %swap3A_239 {strides = array<i32>} : memref<256xf32, #tpu.memory_space<vmem>>, vector<16xf32>,
      %eq3A_240 = arith.constant 6 : i32
      %eq3A_241 = vector.broadcast %eq3A_240 : i32 to vector<16xi32>
      %eq3A_242 = arith.cmpi eq, %get3A_5, %eq3A_241 : vector<16xi32>
      %jit3A_243 = arith.constant 0.000000e+00 : f32
      %broadcast_in_dim3A_244 = vector.broadcast %jit3A_243 : f32 to vector<16xf32>
      %select_n3A_245 = arith.select %eq3A_242, %get3A_17, %broadcast_in_dim3A_244 : vector<16xi1>, vector<16xf32>
      %add3A_246 = arith.addf %broadcast_in_dim3A_27, %select_n3A_245 : vector<16xf32>
      %eq3A_247 = arith.constant 6 : i32
      %eq3A_248 = vector.broadcast %eq3A_247 : i32 to vector<16xi32>
      %eq3A_249 = arith.cmpi eq, %get3A_11, %eq3A_248 : vector<16xi32>
      %jit3A_250 = arith.constant 0.000000e+00 : f32
      %broadcast_in_dim3A_251 = vector.broadcast %jit3A_250 : f32 to vector<16xf32>
      %select_n3A_252 = arith.select %eq3A_249, %get3A_23, %broadcast_in_dim3A_251 : vector<16xi1>, vector<16xf32>
      %add3A_253 = arith.addf %add3A_246, %select_n3A_252 : vector<16xf32>
      %swap3A_254 = arith.constant 192 : index
      %swap3A_255 = tpu.vector_load %arg7[%swap3A_254] {strides = array<i32>} : memref<256xf32, #tpu.memory_space<vmem>>, vector<16xf32>,
      %swap3A_256 = vector.shape_cast %swap3A_255 : vector<16xf32> to vector<16xf32>
      %swap3A_257 = vector.shape_cast %add3A_253 : vector<16xf32> to vector<16xf32>
      tpu.vector_store %arg7[%swap3A_254], %swap3A_257 {strides = array<i32>} : memref<256xf32, #tpu.memory_space<vmem>>, vector<16xf32>,
      %eq3A_258 = arith.constant 6 : i32
      %eq3A_259 = vector.broadcast %eq3A_258 : i32 to vector<16xi32>
      %eq3A_260 = arith.cmpi eq, %get3A_8, %eq3A_259 : vector<16xi32>
      %jit3A_261 = arith.constant 0.000000e+00 : f32
      %broadcast_in_dim3A_262 = vector.broadcast %jit3A_261 : f32 to vector<16xf32>
      %select_n3A_263 = arith.select %eq3A_260, %get3A_20, %broadcast_in_dim3A_262 : vector<16xi1>, vector<16xf32>
      %add3A_264 = arith.addf %broadcast_in_dim3A_27, %select_n3A_263 : vector<16xf32>
      %eq3A_265 = arith.constant 6 : i32
      %eq3A_266 = vector.broadcast %eq3A_265 : i32 to vector<16xi32>
      %eq3A_267 = arith.cmpi eq, %get3A_14, %eq3A_266 : vector<16xi32>
      %jit3A_268 = arith.constant 0.000000e+00 : f32
      %broadcast_in_dim3A_269 = vector.broadcast %jit3A_268 : f32 to vector<16xf32>
      %select_n3A_270 = arith.select %eq3A_267, %get3A_26, %broadcast_in_dim3A_269 : vector<16xi1>, vector<16xf32>
      %add3A_271 = arith.addf %add3A_264, %select_n3A_270 : vector<16xf32>
      %swap3A_272 = arith.constant 208 : index
      %swap3A_273 = tpu.vector_load %arg7[%swap3A_272] {strides = array<i32>} : memref<256xf32, #tpu.memory_space<vmem>>, vector<16xf32>,
      %swap3A_274 = vector.shape_cast %swap3A_273 : vector<16xf32> to vector<16xf32>
      %swap3A_275 = vector.shape_cast %add3A_271 : vector<16xf32> to vector<16xf32>
      tpu.vector_store %arg7[%swap3A_272], %swap3A_275 {strides = array<i32>} : memref<256xf32, #tpu.memory_space<vmem>>, vector<16xf32>,
      %eq3A_276 = arith.constant 7 : i32
      %eq3A_277 = vector.broadcast %eq3A_276 : i32 to vector<16xi32>
      %eq3A_278 = arith.cmpi eq, %get3A_5, %eq3A_277 : vector<16xi32>
      %jit3A_279 = arith.constant 0.000000e+00 : f32
      %broadcast_in_dim3A_280 = vector.broadcast %jit3A_279 : f32 to vector<16xf32>
      %select_n3A_281 = arith.select %eq3A_278, %get3A_17, %broadcast_in_dim3A_280 : vector<16xi1>, vector<16xf32>
      %add3A_282 = arith.addf %broadcast_in_dim3A_27, %select_n3A_281 : vector<16xf32>
      %eq3A_283 = arith.constant 7 : i32
      %eq3A_284 = vector.broadcast %eq3A_283 : i32 to vector<16xi32>
      %eq3A_285 = arith.cmpi eq, %get3A_11, %eq3A_284 : vector<16xi32>
      %jit3A_286 = arith.constant 0.000000e+00 : f32
      %broadcast_in_dim3A_287 = vector.broadcast %jit3A_286 : f32 to vector<16xf32>
      %select_n3A_288 = arith.select %eq3A_285, %get3A_23, %broadcast_in_dim3A_287 : vector<16xi1>, vector<16xf32>
      %add3A_289 = arith.addf %add3A_282, %select_n3A_288 : vector<16xf32>
      %swap3A_290 = arith.constant 224 : index
      %swap3A_291 = tpu.vector_load %arg7[%swap3A_290] {strides = array<i32>} : memref<256xf32, #tpu.memory_space<vmem>>, vector<16xf32>,
      %swap3A_292 = vector.shape_cast %swap3A_291 : vector<16xf32> to vector<16xf32>
      %swap3A_293 = vector.shape_cast %add3A_289 : vector<16xf32> to vector<16xf32>
      tpu.vector_store %arg7[%swap3A_290], %swap3A_293 {strides = array<i32>} : memref<256xf32, #tpu.memory_space<vmem>>, vector<16xf32>,
      %eq3A_294 = arith.constant 7 : i32
      %eq3A_295 = vector.broadcast %eq3A_294 : i32 to vector<16xi32>
      %eq3A_296 = arith.cmpi eq, %get3A_8, %eq3A_295 : vector<16xi32>
      %jit3A_297 = arith.constant 0.000000e+00 : f32
      %broadcast_in_dim3A_298 = vector.broadcast %jit3A_297 : f32 to vector<16xf32>
      %select_n3A_299 = arith.select %eq3A_296, %get3A_20, %broadcast_in_dim3A_298 : vector<16xi1>, vector<16xf32>
      %add3A_300 = arith.addf %broadcast_in_dim3A_27, %select_n3A_299 : vector<16xf32>
      %eq3A_301 = arith.constant 7 : i32
      %eq3A_302 = vector.broadcast %eq3A_301 : i32 to vector<16xi32>
      %eq3A_303 = arith.cmpi eq, %get3A_14, %eq3A_302 : vector<16xi32>
      %jit3A_304 = arith.constant 0.000000e+00 : f32
      %broadcast_in_dim3A_305 = vector.broadcast %jit3A_304 : f32 to vector<16xf32>
      %select_n3A_306 = arith.select %eq3A_303, %get3A_26, %broadcast_in_dim3A_305 : vector<16xi1>, vector<16xf32>
      %add3A_307 = arith.addf %add3A_300, %select_n3A_306 : vector<16xf32>
      %swap3A_308 = arith.constant 240 : index
      %swap3A_309 = tpu.vector_load %arg7[%swap3A_308] {strides = array<i32>} : memref<256xf32, #tpu.memory_space<vmem>>, vector<16xf32>,
      %swap3A_310 = vector.shape_cast %swap3A_309 : vector<16xf32> to vector<16xf32>
      %swap3A_311 = vector.shape_cast %add3A_307 : vector<16xf32> to vector<16xf32>
      tpu.vector_store %arg7[%swap3A_308], %swap3A_311 {strides = array<i32>} : memref<256xf32, #tpu.memory_space<vmem>>, vector<16xf32>,
      "tpu.region"() ({
        %run_scoped3A = tpu.sem_alloc : memref<!tpu.dma_semaphore, #tpu.memory_space<semaphore_mem>>
        tpu.enqueue_dma source(%arg7 : memref<256xf32, #tpu.memory_space<vmem>>) target(%arg4 : memref<256xf32, #tpu.memory_space<hbm>>) target_semaphore(%run_scoped3A : memref<!tpu.dma_semaphore, #tpu.memory_space<semaphore_mem>>)
        tpu.wait_dma2 semaphore(%run_scoped3A : memref<!tpu.dma_semaphore, #tpu.memory_space<semaphore_mem>>) src(%arg7 : memref<256xf32, #tpu.memory_space<vmem>>) dst(%arg4 : memref<256xf32, #tpu.memory_space<hbm>>)
        tpu.yield
      }) : () -> ()
    } else {
    }
    return
  }
}

module attributes {stable_mosaic.version = 14 : i64} {
  func.func @_ffn_kernel(%arg0: i32, %arg1: i32, %arg2: memref<32x1024xf32, #tpu.memory_space<vmem>>, %arg3: memref<1x1024x1024xf32, #tpu.memory_space<vmem>>, %arg4: memref<1x1024x1024xf32, #tpu.memory_space<vmem>>, %arg5: memref<1x32x1024xf32, #tpu.memory_space<vmem>>) attributes {dimension_semantics = [#tpu.dimension_semantics<arbitrary>, #tpu.dimension_semantics<arbitrary>], iteration_bounds = array<i64: 8, 2>, scalar_prefetch = 0 : i64, scratch_operands = 0 : i64, tpu.core_type = #tpu.core_type<tc>, window_params = [{pipeline_mode = #tpu.pipeline_mode<synchronous>, transform_indices = @transform_0, window_bounds = array<i64: 32, 1024>}, {transform_indices = @transform_1, window_bounds = array<i64: 1, 1024, 1024>}, {transform_indices = @transform_2, window_bounds = array<i64: 1, 1024, 1024>}, {transform_indices = @transform_3, window_bounds = array<i64: 1, 32, 1024>}]} {
    %get3A = arith.constant 0 : index
    %get3A_0 = arith.constant 0 : index
    %get3A_1 = vector.load %arg2[%get3A, %get3A_0] : memref<32x1024xf32, #tpu.memory_space<vmem>>, vector<32x1024xf32>
    %get3A_2 = arith.constant 0 : index
    %get3A_3 = arith.constant 0 : index
    %get3A_4 = arith.constant 0 : index
    %get3A_5 = vector.load %arg3[%get3A_2, %get3A_3, %get3A_4] : memref<1x1024x1024xf32, #tpu.memory_space<vmem>>, vector<1x1024x1024xf32>
    %get3A_6 = vector.shape_cast %get3A_5 : vector<1x1024x1024xf32> to vector<1024x1024xf32>
    %dot_general3A = arith.constant dense<0.000000e+00> : vector<32x1024xf32>
    %dot_general3A_7 = tpu.matmul %get3A_1, %get3A_6, %dot_general3A {dimension_numbers = #tpu.dot_dimension_numbers<[1], [0], [0], [1], [0, 0, 1, 1], [], []>, transpose_lhs_hint = false} : vector<32x1024xf32>, vector<1024x1024xf32>, vector<32x1024xf32> -> vector<32x1024xf32>
    %logistic3A = arith.negf %dot_general3A_7 : vector<32x1024xf32>
    %logistic3A_8 = math.exp %logistic3A : vector<32x1024xf32>
    %logistic3A_9 = arith.constant 1.000000e+00 : f32
    %logistic3A_10 = vector.broadcast %logistic3A_9 : f32 to vector<32x1024xf32>
    %logistic3A_11 = arith.addf %logistic3A_10, %logistic3A_8 : vector<32x1024xf32>
    %logistic3A_12 = arith.divf %logistic3A_10, %logistic3A_11 : vector<32x1024xf32>
    %mul3A = arith.mulf %dot_general3A_7, %logistic3A_12 : vector<32x1024xf32>
    %get3A_13 = arith.constant 0 : index
    %get3A_14 = arith.constant 0 : index
    %get3A_15 = arith.constant 0 : index
    %get3A_16 = vector.load %arg4[%get3A_13, %get3A_14, %get3A_15] : memref<1x1024x1024xf32, #tpu.memory_space<vmem>>, vector<1x1024x1024xf32>
    %get3A_17 = vector.shape_cast %get3A_16 : vector<1x1024x1024xf32> to vector<1024x1024xf32>
    %dot_general3A_18 = arith.constant dense<0.000000e+00> : vector<32x1024xf32>
    %dot_general3A_19 = tpu.matmul %mul3A, %get3A_17, %dot_general3A_18 {dimension_numbers = #tpu.dot_dimension_numbers<[1], [0], [0], [1], [0, 0, 1, 1], [], []>, transpose_lhs_hint = false} : vector<32x1024xf32>, vector<1024x1024xf32>, vector<32x1024xf32> -> vector<32x1024xf32>
    %eq3A = arith.constant 0 : i32
    %eq3A_20 = arith.cmpi eq, %arg1, %eq3A : i32
    %convert_element_type3A = arith.extui %eq3A_20 : i1 to i32
    %cond3A = arith.constant 0 : i32
    %cond3A_21 = arith.cmpi ne, %convert_element_type3A, %cond3A : i32
    scf.if %cond3A_21 {
      %broadcast_in_dim3A = arith.constant 0.000000e+00 : f32
      %broadcast_in_dim3A_32 = vector.broadcast %broadcast_in_dim3A : f32 to vector<32x1024xf32>
      %swap3A_33 = arith.constant 0 : index
      %swap3A_34 = arith.constant 0 : index
      %swap3A_35 = arith.constant 0 : index
      %swap3A_36 = vector.load %arg5[%swap3A_33, %swap3A_34, %swap3A_35] : memref<1x32x1024xf32, #tpu.memory_space<vmem>>, vector<1x32x1024xf32>
      %swap3A_37 = vector.shape_cast %swap3A_36 : vector<1x32x1024xf32> to vector<32x1024xf32>
      %swap3A_38 = vector.shape_cast %broadcast_in_dim3A_32 : vector<32x1024xf32> to vector<1x32x1024xf32>
      tpu.vector_store %arg5[%swap3A_33, %swap3A_34, %swap3A_35], %swap3A_38 {strides = array<i32>} : memref<1x32x1024xf32, #tpu.memory_space<vmem>>, vector<1x32x1024xf32>,
    } else {
    }
    %get3A_22 = arith.constant 0 : index
    %get3A_23 = arith.constant 0 : index
    %get3A_24 = arith.constant 0 : index
    %get3A_25 = vector.load %arg5[%get3A_22, %get3A_23, %get3A_24] : memref<1x32x1024xf32, #tpu.memory_space<vmem>>, vector<1x32x1024xf32>
    %get3A_26 = vector.shape_cast %get3A_25 : vector<1x32x1024xf32> to vector<32x1024xf32>
    %add3A = arith.addf %get3A_26, %dot_general3A_19 : vector<32x1024xf32>
    %swap3A = arith.constant 0 : index
    %swap3A_27 = arith.constant 0 : index
    %swap3A_28 = arith.constant 0 : index
    %swap3A_29 = vector.load %arg5[%swap3A, %swap3A_27, %swap3A_28] : memref<1x32x1024xf32, #tpu.memory_space<vmem>>, vector<1x32x1024xf32>
    %swap3A_30 = vector.shape_cast %swap3A_29 : vector<1x32x1024xf32> to vector<32x1024xf32>
    %swap3A_31 = vector.shape_cast %add3A : vector<32x1024xf32> to vector<1x32x1024xf32>
    tpu.vector_store %arg5[%swap3A, %swap3A_27, %swap3A_28], %swap3A_31 {strides = array<i32>} : memref<1x32x1024xf32, #tpu.memory_space<vmem>>, vector<1x32x1024xf32>,
    return
  }
  func.func @transform_0(%arg0: i32, %arg1: i32) -> (i32, i32) {
    %c0_i32 = arith.constant 0 : i32
    %c0_i32_0 = arith.constant 0 : i32
    %c0_i32_1 = arith.constant 0 : i32
    return %c0_i32, %c0_i32_0 : i32, i32
  }
  func.func @transform_1(%arg0: i32, %arg1: i32) -> (i32, i32, i32) {
    %c0_i32 = arith.constant 0 : i32
    %c0_i32_0 = arith.constant 0 : i32
    return %arg0, %c0_i32, %arg1 : i32, i32, i32
  }
  func.func @transform_2(%arg0: i32, %arg1: i32) -> (i32, i32, i32) {
    %c0_i32 = arith.constant 0 : i32
    %c0_i32_0 = arith.constant 0 : i32
    return %arg0, %arg1, %c0_i32 : i32, i32, i32
  }
  func.func @transform_3(%arg0: i32, %arg1: i32) -> (i32, i32, i32) {
    %c0_i32 = arith.constant 0 : i32
    %c0_i32_0 = arith.constant 0 : i32
    %c0_i32_1 = arith.constant 0 : i32
    return %arg0, %c0_i32, %c0_i32_0 : i32, i32, i32
  }
}

module attributes {stable_mosaic.version = 14 : i64} {
  func.func @_combine_kernel(%arg0: memref<8x32xf32, #tpu.memory_space<vmem>>, %arg1: memref<8x32x1024xf32, #tpu.memory_space<vmem>>, %arg2: memref<32x1024xf32, #tpu.memory_space<vmem>>) attributes {dimension_semantics = [], scalar_prefetch = 0 : i64, scratch_operands = 0 : i64, tpu.core_type = #tpu.core_type<tc>} {
    %get3A = arith.constant 0 : index
    %get3A_0 = arith.constant 0 : index
    %get3A_1 = arith.constant 0 : index
    %get3A_2 = vector.load %arg1[%get3A, %get3A_0, %get3A_1] : memref<8x32x1024xf32, #tpu.memory_space<vmem>>, vector<1x32x1024xf32>
    %get3A_3 = vector.shape_cast %get3A_2 : vector<1x32x1024xf32> to vector<32x1024xf32>
    %get3A_4 = arith.constant 0 : index
    %get3A_5 = arith.constant 0 : index
    %get3A_6 = vector.load %arg0[%get3A_4, %get3A_5] : memref<8x32xf32, #tpu.memory_space<vmem>>, vector<1x32xf32>
    %get3A_7 = vector.shape_cast %get3A_6 : vector<1x32xf32> to vector<32xf32>
    %broadcast_in_dim3A = vector.shape_cast %get3A_7 : vector<32xf32> to vector<32x1xf32>
    %mul3A = vector.broadcast %broadcast_in_dim3A : vector<32x1xf32> to vector<32x1024xf32>
    %mul3A_8 = arith.mulf %get3A_3, %mul3A : vector<32x1024xf32>
    %get3A_9 = arith.constant 1 : index
    %get3A_10 = arith.constant 0 : index
    %get3A_11 = arith.constant 0 : index
    %get3A_12 = vector.load %arg1[%get3A_9, %get3A_10, %get3A_11] : memref<8x32x1024xf32, #tpu.memory_space<vmem>>, vector<1x32x1024xf32>
    %get3A_13 = vector.shape_cast %get3A_12 : vector<1x32x1024xf32> to vector<32x1024xf32>
    %get3A_14 = arith.constant 1 : index
    %get3A_15 = arith.constant 0 : index
    %get3A_16 = vector.load %arg0[%get3A_14, %get3A_15] : memref<8x32xf32, #tpu.memory_space<vmem>>, vector<1x32xf32>
    %get3A_17 = vector.shape_cast %get3A_16 : vector<1x32xf32> to vector<32xf32>
    %broadcast_in_dim3A_18 = vector.shape_cast %get3A_17 : vector<32xf32> to vector<32x1xf32>
    %mul3A_19 = vector.broadcast %broadcast_in_dim3A_18 : vector<32x1xf32> to vector<32x1024xf32>
    %mul3A_20 = arith.mulf %get3A_13, %mul3A_19 : vector<32x1024xf32>
    %add3A = arith.addf %mul3A_8, %mul3A_20 : vector<32x1024xf32>
    %get3A_21 = arith.constant 2 : index
    %get3A_22 = arith.constant 0 : index
    %get3A_23 = arith.constant 0 : index
    %get3A_24 = vector.load %arg1[%get3A_21, %get3A_22, %get3A_23] : memref<8x32x1024xf32, #tpu.memory_space<vmem>>, vector<1x32x1024xf32>
    %get3A_25 = vector.shape_cast %get3A_24 : vector<1x32x1024xf32> to vector<32x1024xf32>
    %get3A_26 = arith.constant 2 : index
    %get3A_27 = arith.constant 0 : index
    %get3A_28 = vector.load %arg0[%get3A_26, %get3A_27] : memref<8x32xf32, #tpu.memory_space<vmem>>, vector<1x32xf32>
    %get3A_29 = vector.shape_cast %get3A_28 : vector<1x32xf32> to vector<32xf32>
    %broadcast_in_dim3A_30 = vector.shape_cast %get3A_29 : vector<32xf32> to vector<32x1xf32>
    %mul3A_31 = vector.broadcast %broadcast_in_dim3A_30 : vector<32x1xf32> to vector<32x1024xf32>
    %mul3A_32 = arith.mulf %get3A_25, %mul3A_31 : vector<32x1024xf32>
    %add3A_33 = arith.addf %add3A, %mul3A_32 : vector<32x1024xf32>
    %get3A_34 = arith.constant 3 : index
    %get3A_35 = arith.constant 0 : index
    %get3A_36 = arith.constant 0 : index
    %get3A_37 = vector.load %arg1[%get3A_34, %get3A_35, %get3A_36] : memref<8x32x1024xf32, #tpu.memory_space<vmem>>, vector<1x32x1024xf32>
    %get3A_38 = vector.shape_cast %get3A_37 : vector<1x32x1024xf32> to vector<32x1024xf32>
    %get3A_39 = arith.constant 3 : index
    %get3A_40 = arith.constant 0 : index
    %get3A_41 = vector.load %arg0[%get3A_39, %get3A_40] : memref<8x32xf32, #tpu.memory_space<vmem>>, vector<1x32xf32>
    %get3A_42 = vector.shape_cast %get3A_41 : vector<1x32xf32> to vector<32xf32>
    %broadcast_in_dim3A_43 = vector.shape_cast %get3A_42 : vector<32xf32> to vector<32x1xf32>
    %mul3A_44 = vector.broadcast %broadcast_in_dim3A_43 : vector<32x1xf32> to vector<32x1024xf32>
    %mul3A_45 = arith.mulf %get3A_38, %mul3A_44 : vector<32x1024xf32>
    %add3A_46 = arith.addf %add3A_33, %mul3A_45 : vector<32x1024xf32>
    %get3A_47 = arith.constant 4 : index
    %get3A_48 = arith.constant 0 : index
    %get3A_49 = arith.constant 0 : index
    %get3A_50 = vector.load %arg1[%get3A_47, %get3A_48, %get3A_49] : memref<8x32x1024xf32, #tpu.memory_space<vmem>>, vector<1x32x1024xf32>
    %get3A_51 = vector.shape_cast %get3A_50 : vector<1x32x1024xf32> to vector<32x1024xf32>
    %get3A_52 = arith.constant 4 : index
    %get3A_53 = arith.constant 0 : index
    %get3A_54 = vector.load %arg0[%get3A_52, %get3A_53] : memref<8x32xf32, #tpu.memory_space<vmem>>, vector<1x32xf32>
    %get3A_55 = vector.shape_cast %get3A_54 : vector<1x32xf32> to vector<32xf32>
    %broadcast_in_dim3A_56 = vector.shape_cast %get3A_55 : vector<32xf32> to vector<32x1xf32>
    %mul3A_57 = vector.broadcast %broadcast_in_dim3A_56 : vector<32x1xf32> to vector<32x1024xf32>
    %mul3A_58 = arith.mulf %get3A_51, %mul3A_57 : vector<32x1024xf32>
    %add3A_59 = arith.addf %add3A_46, %mul3A_58 : vector<32x1024xf32>
    %get3A_60 = arith.constant 5 : index
    %get3A_61 = arith.constant 0 : index
    %get3A_62 = arith.constant 0 : index
    %get3A_63 = vector.load %arg1[%get3A_60, %get3A_61, %get3A_62] : memref<8x32x1024xf32, #tpu.memory_space<vmem>>, vector<1x32x1024xf32>
    %get3A_64 = vector.shape_cast %get3A_63 : vector<1x32x1024xf32> to vector<32x1024xf32>
    %get3A_65 = arith.constant 5 : index
    %get3A_66 = arith.constant 0 : index
    %get3A_67 = vector.load %arg0[%get3A_65, %get3A_66] : memref<8x32xf32, #tpu.memory_space<vmem>>, vector<1x32xf32>
    %get3A_68 = vector.shape_cast %get3A_67 : vector<1x32xf32> to vector<32xf32>
    %broadcast_in_dim3A_69 = vector.shape_cast %get3A_68 : vector<32xf32> to vector<32x1xf32>
    %mul3A_70 = vector.broadcast %broadcast_in_dim3A_69 : vector<32x1xf32> to vector<32x1024xf32>
    %mul3A_71 = arith.mulf %get3A_64, %mul3A_70 : vector<32x1024xf32>
    %add3A_72 = arith.addf %add3A_59, %mul3A_71 : vector<32x1024xf32>
    %get3A_73 = arith.constant 6 : index
    %get3A_74 = arith.constant 0 : index
    %get3A_75 = arith.constant 0 : index
    %get3A_76 = vector.load %arg1[%get3A_73, %get3A_74, %get3A_75] : memref<8x32x1024xf32, #tpu.memory_space<vmem>>, vector<1x32x1024xf32>
    %get3A_77 = vector.shape_cast %get3A_76 : vector<1x32x1024xf32> to vector<32x1024xf32>
    %get3A_78 = arith.constant 6 : index
    %get3A_79 = arith.constant 0 : index
    %get3A_80 = vector.load %arg0[%get3A_78, %get3A_79] : memref<8x32xf32, #tpu.memory_space<vmem>>, vector<1x32xf32>
    %get3A_81 = vector.shape_cast %get3A_80 : vector<1x32xf32> to vector<32xf32>
    %broadcast_in_dim3A_82 = vector.shape_cast %get3A_81 : vector<32xf32> to vector<32x1xf32>
    %mul3A_83 = vector.broadcast %broadcast_in_dim3A_82 : vector<32x1xf32> to vector<32x1024xf32>
    %mul3A_84 = arith.mulf %get3A_77, %mul3A_83 : vector<32x1024xf32>
    %add3A_85 = arith.addf %add3A_72, %mul3A_84 : vector<32x1024xf32>
    %get3A_86 = arith.constant 7 : index
    %get3A_87 = arith.constant 0 : index
    %get3A_88 = arith.constant 0 : index
    %get3A_89 = vector.load %arg1[%get3A_86, %get3A_87, %get3A_88] : memref<8x32x1024xf32, #tpu.memory_space<vmem>>, vector<1x32x1024xf32>
    %get3A_90 = vector.shape_cast %get3A_89 : vector<1x32x1024xf32> to vector<32x1024xf32>
    %get3A_91 = arith.constant 7 : index
    %get3A_92 = arith.constant 0 : index
    %get3A_93 = vector.load %arg0[%get3A_91, %get3A_92] : memref<8x32xf32, #tpu.memory_space<vmem>>, vector<1x32xf32>
    %get3A_94 = vector.shape_cast %get3A_93 : vector<1x32xf32> to vector<32xf32>
    %broadcast_in_dim3A_95 = vector.shape_cast %get3A_94 : vector<32xf32> to vector<32x1xf32>
    %mul3A_96 = vector.broadcast %broadcast_in_dim3A_95 : vector<32x1xf32> to vector<32x1024xf32>
    %mul3A_97 = arith.mulf %get3A_90, %mul3A_96 : vector<32x1024xf32>
    %add3A_98 = arith.addf %add3A_85, %mul3A_97 : vector<32x1024xf32>
    %swap3A = arith.constant 0 : index
    %swap3A_99 = arith.constant 0 : index
    %swap3A_100 = vector.load %arg2[%swap3A, %swap3A_99] : memref<32x1024xf32, #tpu.memory_space<vmem>>, vector<32x1024xf32>
    tpu.vector_store %arg2[%swap3A, %swap3A_99], %add3A_98 {strides = array<i32>} : memref<32x1024xf32, #tpu.memory_space<vmem>>, vector<32x1024xf32>,
    return
  }
}

</mosaic_0001>

<sc_bundles>
// kernel: kernel.5.cloned.1.call-start
scs
__scs_entry_jumppad:
0x0: {  	(pc) =	sbr.rel $0x88, $3  }
0x1: {  	(tag) =	ssettag $0x0;
	lr =	simm.s32 $0x1  }
0x2: {  	[smem:$0x3F9C] =	sst lr;
	_ =	strace $0xD0000000  }
0x3: {  	_ = 	snop  }
0x4: {  	_ = 	snop  }
0x5: {  	_ = 	snop  }
0x6: {  	_ = 	snop  }
0x7: {  	_ = 	snop  }
__scs_overlays_trampoline_lowered:
0x8: {  	[smem:$0x3FAB] =	sst s0  }
0x9: {  	[smem:$0x3FAC] =	sst s1  }
0xa: {  	[smem:$0x3FAD] =	sst s2  }
0xb: {  	[smem:$0x3FAE] =	sst s3  }
0xc: {  	[smem:$0x3FAF] =	sst s4  }
0xd: {  	[smem:$0x3FB0] =	sst s5  }
0xe: {  	[smem:$0x3FB1] =	sst s6  }
0xf: {  	[smem:$0x3FB2] =	sst s7  }
0x10: {  	[smem:$0x3FB3] =	sst s8  }
0x11: {  	[smem:$0x3FB4] =	sst s9;
	s0 =	simm.s32 @!p0 $0x0  }
0x12: {  	s1 =	sld [smem:$0x3F9A];
	s0 =	simm.s32 @p0 $0x1  }
0x13: {  	[smem:$0x3FB5] =	sst s0;
	s0 =	simm.s32 @!p1 $0x0  }
0x14: {  	s2 =	sld [smem:$0x3F99];
	s0 =	simm.s32 @p1 $0x1  }
0x15: {  	[smem:$0x3FB6] =	sst s0;
	s0 =	simm.s32 @!p2 $0x0  }
0x16: {  	s3 =	sld [smem:$0x3FDB];
	s0 =	simm.s32 @p2 $0x1  }
0x17: {  	s4 =	simm.s32 $0x1BF5;
	[smem:$0x3FB8] =	sst s0  }
0x18: {  	s0 =	sld [smem:$0x3F9B];
	_ =	swait.ge [sflag:s4], $0x0  }
0x19: {  	s7 =	sld [smem:$0x3F9C]  }
0x1a: {  	s8 =	sadd.s32 $0xFFFFE003, lr  }
0x1b: {  	s9 =	sadd.s32 $0xFFFFFEF7, lr;
	s5 =	simm.s32 $0xFFFFFFFF;
	p2 =	slt.u32 s8, $0xFFFFF086  }
0x1c: {  	p1 =	slt.u32 s9, $0xF7A;
	s5 =	simm.s32 @!p2 $0x0  }
0x1d: {  	s5 =	simm.s32 @p1 $0x1;
	p0 =	seq.s32 s7, s2  }
0x1e: {  	s7 =	smul.u32 @!p0 $0xF7A, s2;
	p2 =	seq.s32 @!p0 s5, $0x0  }
0x1f: {  	s9 =	smul.u32 $0xF7A, s1;
	s8 =	simm.s32 @!p0 $0x1BF5;
	p2 =	por !p2, p0  }
0x20: {  	[sflag:s8] =	ssyncset.s32 @!p0 $0xFFFFF086;
	s6 =	sadd.s32 @!p0 s3, s7;
	s7 =	simm.s32 @!p0 $0x108  }
0x21: {  	s3 =	sadd.s32 s3, s9;
	s6 =	sadd.s32 @!p0 $0x88, s6;
	s7 =	simm.s32 @p2 $0x1082  }
0x22: {  	[simem:s7], [sflag:s8] =	dma.local @!p0 [hbm:s6], $0xF7A  }
0x23: {  	s9 =	sor.u32 $0xD0000000, s2;
	s6 =	simm.s32 $0x108;
	_ =	swait.ge @!p0 [sflag:s8], $0x0  }
0x24: {  	s3 =	sadd.s32 $0x88, s3;
	s6 =	simm.s32 @!p1 $0x1082;
	[sflag:s4] =	ssyncset.s32 $0xFFFFF086  }
0x25: {  	[simem:s6], [sflag:s4] =	dma.local [hbm:s3], $0xF7A  }
0x26: {  	[smem:$0x3F9C] =	sst s1;
	(tag) =	ssettag s2;
	_ =	strace s9  }
0x27: {  	s1 =	sld [smem:$0x3FAC]  }
0x28: {  	s2 =	sld [smem:$0x3FAD]  }
0x29: {  	s4 =	sld [smem:$0x3FAF]  }
0x2a: {  	p0 =	seq.s32 s5, $0x0;
	s5 =	sld [smem:$0x3FB0]  }
0x2b: {  	s6 =	sld [smem:$0x3FB1]  }
0x2c: {  	s7 =	sld [smem:$0x3FB2]  }
0x2d: {  	s3 =	simm.s32 $0x108;
	s8 =	sld [smem:$0x3FB3]  }
0x2e: {  	s3 =	simm.s32 @!p0 $0x1082;
	s9 =	sld [smem:$0x3FB4]  }
0x2f: {  	lr =	sadd.s32 s0, s3;
	s0 =	sld [smem:$0x3FAB]  }
0x30: {  	s3 =	sld [smem:$0x3FAE]  }
0x31: {  	[smem:$0x3FB7] =	sst s10  }
0x32: {  	s10 =	sld [smem:$0x3FB5];
	_ =	sdelay $0x3  }
0x33: {  	p0 =	seq.s32 s10, $0x1;
	s10 =	sld [smem:$0x3FB7];
	_ =	sdelay $0x3  }
0x34: {  	[smem:$0x3FB7] =	sst s10  }
0x35: {  	s10 =	sld [smem:$0x3FB6];
	_ =	sdelay $0x3  }
0x36: {  	p1 =	seq.s32 s10, $0x1;
	s10 =	sld [smem:$0x3FB7];
	_ =	sdelay $0x3  }
0x37: {  	[smem:$0x3FB7] =	sst s10  }
0x38: {  	s10 =	sld [smem:$0x3FB8]  }
0x39: {  	_ = 	snop;
	(pc) =	sbr.ind lr, $3  }
0x3a: {  	_ = 	snop  }
0x3b: {  	_ = 	snop  }
0x3c: {  	p2 =	seq.s32 s10, $0x1;
	s10 =	sld [smem:$0x3FB7]  }
0x3d: {  	_ =	shalt  }
0x3e: {  	_ =	shalt  }
0x3f: {  	_ =	shalt  }
0x40: {  	_ =	shalt  }
0x41: {  	_ =	shalt  }
0x42: {  	_ =	shalt  }
0x43: {  	_ =	shalt  }
0x44: {  	_ =	shalt  }
0x45: {  	_ =	shalt  }
0x46: {  	_ =	shalt  }
0x47: {  	_ =	shalt  }
0x48: {  	_ =	shalt  }
0x49: {  	_ =	shalt  }
0x4a: {  	_ =	shalt  }
0x4b: {  	_ =	shalt  }
0x4c: {  	_ =	shalt  }
0x4d: {  	_ =	shalt  }
0x4e: {  	_ =	shalt  }
0x4f: {  	_ =	shalt  }
0x50: {  	_ =	shalt  }
0x51: {  	_ =	shalt  }
0x52: {  	_ =	shalt  }
0x53: {  	_ =	shalt  }
0x54: {  	_ =	shalt  }
0x55: {  	_ =	shalt  }
0x56: {  	_ =	shalt  }
0x57: {  	_ =	shalt  }
0x58: {  	_ =	shalt  }
0x59: {  	_ =	shalt  }
0x5a: {  	_ =	shalt  }
0x5b: {  	_ =	shalt  }
0x5c: {  	_ =	shalt  }
0x5d: {  	_ =	shalt  }
0x5e: {  	_ =	shalt  }
0x5f: {  	_ =	shalt  }
0x60: {  	_ =	shalt  }
0x61: {  	_ =	shalt  }
0x62: {  	_ =	shalt  }
0x63: {  	_ =	shalt  }
0x64: {  	_ =	shalt  }
0x65: {  	_ =	shalt  }
0x66: {  	_ =	shalt  }
0x67: {  	_ =	shalt  }
0x68: {  	_ =	shalt  }
0x69: {  	_ =	shalt  }
0x6a: {  	_ =	shalt  }
0x6b: {  	_ =	shalt  }
0x6c: {  	_ =	shalt  }
0x6d: {  	_ =	shalt  }
0x6e: {  	_ =	shalt  }
0x6f: {  	_ =	shalt  }
0x70: {  	_ =	shalt  }
0x71: {  	_ =	shalt  }
0x72: {  	_ =	shalt  }
0x73: {  	_ =	shalt  }
0x74: {  	_ =	shalt  }
0x75: {  	_ =	shalt  }
0x76: {  	_ =	shalt  }
0x77: {  	_ =	shalt  }
0x78: {  	_ =	shalt  }
0x79: {  	_ =	shalt  }
0x7a: {  	_ =	shalt  }
0x7b: {  	_ =	shalt  }
0x7c: {  	_ =	shalt  }
0x7d: {  	_ =	shalt  }
0x7e: {  	_ =	shalt  }
0x7f: {  	_ =	shalt  }
0x80: {  	_ =	shalt  }
0x81: {  	_ =	shalt  }
0x82: {  	_ =	shalt  }
0x83: {  	_ =	shalt  }
0x84: {  	_ =	shalt  }
0x85: {  	_ =	shalt  }
0x86: {  	_ =	shalt  }
0x87: {  	_ =	shalt  }
.Lfunc_end0:
.L_simem_size_0:
called_computation_lowered:
.L_overlay_start_0:
0x88: {  	s2 =	sld [smem:$0x3FD9]  }
0x89: {  	s3 =	sld [smem:$0x3FFE];
	_ =	sdelay $0x1  }
0x8a: {  	s1 =	srdreg.scid  }
0x8b: {  	s0 =	sand.u32 $0x1, s1  }
0x8c: {  	s17 =	sshll.u32 s0, $0xA;
	s2 =	sadd.s32 s3, s2  }
0x8d: {  	s2 =	sadd.s32 s2, s17  }
0x8e: {  	[smem:$0x3FC3] =	sst s2  }
0x8f: {  	_ = 	snop  }
0x90: {  	s2 =	sld [smem:$0x3FD0];
	(tm) =	ssettm $0x1  }
0x91: {  	s18 =	sld [smem:$0x3FFB];
	_ =	sdelay $0x3  }
0x92: {  	_ =	strace s18  }
0x93: {  	s3 =	sld [smem:$0x3FFC];
	_ =	sdelay $0x3  }
0x94: {  	_ =	strace s3  }
0x95: {  	s3 =	sld [smem:$0x3FFD];
	_ =	sdelay $0x3  }
0x96: {  	_ =	strace s3  }
0x97: {  	_ =	strace $0x8FFFFFFF  }
0x98: {  	s19 =	sld [smem:$0x3FDB];
	_ =	sdelay $0x1  }
0x99: {  	s4 =	simm.s32 $_scs_section_size  }
0x9a: {  	s5 =	simm.s32 $_size__tile_overlayer_lowered;
	s6 =	simm.s32 $_tile_overlayer_lowered  }
0x9b: {  	s22 =	simm.s32 $0x1BFF;
	s21 =	sshll.u32 s6, $0x1;
	s3 =	sadd.s32 s4, s19  }
0x9c: {  	s7 =	simm.s32 $0x0;
	s20 =	sshll.u32 s5, $0x1;
	s5 =	sadd.s32 s21, s3  }
0x9d: {  	[timem:s7], [sflag:s22] =	dma.local [hbm:s5], s20  }
0x9e: {  	_ =	swait.ge [sflag:s22], s20  }
0x9f: {  	s4 =	ssub.s32 $0x0, s20;
	[sflag:s22] =	ssyncset.done $0x0  }
0xa0: {  	[sflag:s22] =	ssyncadd.s32 s4;
	_ =	sdelay $0x1  }
0xa1: {  	s23 =	simm.s32 $0x1B8B  }
0xa2: {  	_ =	swait.ge [sflag:s23], $0x1  }
0xa3: {  	[sflag:s23] =	ssyncset.done $0x0  }
0xa4: {  	s25 =	simm.s32 $0x1B8E;
	s24 =	sld [smem:$0x3FFE];
	[sflag:s23] =	ssyncadd.s32 $0xFFFFFFFF  }
0xa5: {  	s26 =	simm.s32 $execute0_lowered;
	[smem:$0x3FD2] =	sst s25  }
0xa6: {  	s5 =	sshll.u32 s26, $0x1;
	_ =	strace $0x80000046;
	[dreg:$0x1] =	wrdreg $0xFFFFFFFF  }
0xa7: {  	s28 =	simm.s32 $_size_execute0_lowered;
	s3 =	sadd.s32 s3, s5;
	[dreg:$0x0] =	wrdreg $0x0  }
0xa8: {  	s5 =	sshll.u32 s28, $0x1;
	[dreg:$0x2] =	wrdreg s3  }
0xa9: {  	[dreg:$0x3] =	wrdreg s5  }
0xaa: {  	[dreg:$0x4] =	wrdreg $0xC0  }
0xab: {  	_ =	task [dreg:s7], $0x5FFFF  }
0xac: {  	[dreg:$0x1] =	wrdreg $0xFFFFFFFF  }
0xad: {  	[dreg:$0x0] =	wrdreg $0x60  }
0xae: {  	[dreg:$0x2] =	wrdreg s24  }
0xaf: {  	[dreg:$0x3] =	wrdreg s2  }
0xb0: {  	[dreg:$0x4] =	wrdreg $0x9  }
0xb1: {  	_ =	task.clear_ibuf [dreg:s7], $0x5FFFF;
	_ =	strace $0x90000046  }
0xb2: {  	s29 =	simm.s32 $0x9;
	_ =	strace $0x80000048  }
0xb3: {  	_ =	swait.ge [sflag:s29], $0x1  }
0xb4: {  	[sflag:s29] =	ssyncadd.s32 $0xFFFFFFFF  }
0xb5: {  	_ =	strace $0x90000048  }
0xb6: {  	_ =	sfence  }
0xb7: {  	s30 =	sld [smem:$0x0];
	_ =	sdelay $0x2  }
0xb8: {  	s31 =	sshll.u32 s1, $0xD;
	s1 =	sshrl.u32 s1, $0x2  }
0xb9: {  	s3 =	sand.u32 $0x4000, s31;
	s1 =	sadd.s32 s1, s30  }
0xba: {  	s0 =	sor.u32 s3, s0;
	s1 =	sshll.u32 s1, $0x11  }
0xbb: {  	s0 =	sor.u32 s1, s0  }
0xbc: {  	s0 =	sadd.s32 $0x8F2B, s0  }
0xbd: {  	[sflag:s0] =	ssyncadd.remote.s32 $0x1  }
0xbe: {  	_ =	sfence.sel $0xFFFF  }
0xbf: {  	[dreg:$0x0] =	wrdreg $0xFFFFFFFF;
	(pc) =	sbr.abs _section_cstart, $3  }
0xc0: {  	[dreg:$0x1] =	wrdreg $0xFFFFFFFF  }
0xc1: {  	_ =	task.clear_ibuf [dreg:s7], $0x2FFFF;
	_ =	strace $0x9FFFFFFF  }
0xc2: {  	(tm) =	ssettm $0x7FFFFFFF  }
0xc3: {  	_ =	shalt  }
tec
execute0_lowered:
.L_overlay_start_1:
0x0: {  	(tag) =	ssettag $0x1  }
0x1: {  	s0 =	srdreg.scid  }
0x2: {  	s5 =	sand.u32 $0x1, s0;
	s0 =	stileid.u32  }
0x3: {  	s3 =	sor.u32 s0, s5  }
0x4: {  	p0 =	sne.s32 s3, $0x0  }
.Ltmp0:
0x5: {  	_ = 	snop;
	(pc) =	sbr.rel @p0 .LBB2_4-.Ltmp0, $4  }
0x6: {  	_ = 	snop  }
0x7: {  	s7 =	rddreg [dreg:$0x0]  }
0x8: {  	s2 =	rddreg [dreg:$0x1]  }
0x9: {  	s1 =	rddreg [dreg:$0x2];
	_ =	strace $0x80000047  }
0xa: {  	s6 =	sadd.s32 $0x600, s7;
	s4 =	simm.s32 $0x0;
	s3 =	simm.s32 $0x1  }
0xb: {  	[tilespmem:s4], [sflag:$0x1] =	stream.linear.gather [hbm4b:s6+s4], $0x80, $0x38;
	[tilespmem:$0x200] =	vst v63  }
0xc: {  	_ =	swait.ge [sflag:s3], $0x80  }
0xd: {  	[sflag:s3] =	ssyncset.done $0x0  }
0xe: {  	s7 =	sadd.s32 $0x400, s7;
	s8 =	simm.s32 $0x80;
	[sflag:s3] =	ssyncadd.s32 $0xFFFFFF80  }
0xf: {  	[tilespmem:s8], [sflag:$0x1] =	stream.linear.gather [hbm4b:s7+s4], $0x80, $0x38;
	[tilespmem:$0x200] =	vst v63  }
0x10: {  	_ =	swait.ge [sflag:s3], $0x80  }
0x11: {  	[sflag:s3] =	ssyncset.done $0x0  }
0x12: {  	[sflag:s3] =	ssyncadd.s32 $0xFFFFFF80  }
0x13: {  	v10 =	vld [tilespmem:$0x10]  }
0x14: {  	v0 =	vld [tilespmem:$0x30]  }
0x15: {  	v1 =	vld [tilespmem:$0x90]  }
0x16: {  	v2 =	vld [tilespmem:$0x80]  }
0x17: {  	s5 =	ssub.s32 $0x2, s5;
	v7 =	vld [tilespmem:$0x0]  }
0x18: {  	s9 =	sshrl.u32 s5, $0x1  }
0x19: {  	s9 =	ssub.s32 s5, s9;
	vm6 =	veq.s32 v0, $0x2;
	vm7 =	veq.s32 v0, $0x3;
	vm0 =	veq.s32 v0, $0x5  }
0x1a: {  	p0 =	sne.s32 s9, $0x1;
	vm5 =	veq.s32 v10, $0x0;
	vm9 =	veq.s32 v10, $0x1;
	vm1 =	veq.s32 v0, $0x4  }
.Ltmp1:
0x1b: {  	v5 =	vadd.f32 $0.0e+00, v2;
	v9 =	vadd.f32 $0.0e+00, v1;
	vm2 =	veq.s32 v0, $0x1;
	(pc) =	sbr.rel @!p0 .LBB2_3-.Ltmp1, $4  }
0x1c: {  	v6 =	vld [tilespmem:$0x20];
	vm8 =	veq.s32 v10, $0x3;
	vm3 =	veq.s32 v7, $0x4;
	vm4 =	veq.s32 v10, $0x4  }
0x1d: {  	vm10 =	veq.s32 v10, $0x6;
	vm11 =	veq.s32 v10, $0x7;
	v1 =	vld [tilespmem:$0xB0];
	v4 =	vnsel vm4, $0x0, v9  }
0x1e: {  	vm4 =	veq.s32 v10, $0x5;
	v8 =	vnsel vm5, $0x0, v9;
	vm5 =	veq.s32 v7, $0x5  }
0x1f: {  	s5 =	simm.s32 $0x100;
	s9 =	sadd.s32 $0xFFFFFFFF, s9;
	v3 =	vld [tilespmem:$0xA0];
	v11 =	vnsel vm8, $0x0, v9;
	vm8 =	veq.s32 v7, $0x6;
	v2 =	vnsel vm11, $0x0, v9  }
.LBB2_2:
0x20: {  	p0 =	sne.s32 s9, $0x1;
	s9 =	sadd.s32 $0xFFFFFFFF, s9;
	vm11 =	veq.s32 v0, $0x0;
	v12 =	vnsel vm9, $0x0, v9;
	vm9 =	veq.s32 v7, $0x3  }
0x21: {  	vm12 =	veq.s32 v10, $0x2;
	v10 =	vnsel vm10, $0x0, v9;
	vm10 =	veq.s32 v0, $0x6  }
0x22: {  	v13 =	vnsel vm12, $0x0, v9;
	v14 =	vnsel vm7, $0x0, v1;
	vm7 =	veq.s32 v6, $0x4  }
0x23: {  	vm12 =	veq.s32 v6, $0x3;
	v15 =	vnsel vm6, $0x0, v1;
	v16 =	vnsel vm10, $0x0, v1  }
0x24: {  	v17 =	vnsel vm11, $0x0, v1;
	vm6 =	veq.s32 v6, $0x2;
	v10 =	vadd.f32 v16, v10  }
0x25: {  	vm10 =	veq.s32 v7, $0x1;
	v16 =	vnsel vm2, $0x0, v1;
	v18 =	vnsel vm7, $0x0, v3  }
0x26: {  	v9 =	vnsel vm4, $0x0, v9;
	vm2 =	veq.s32 v7, $0x0;
	vm7 =	veq.s32 v6, $0x1;
	[tilespmem:$0x1D0] =	vst v10  }
0x27: {  	vm4 =	veq.s32 v7, $0x2;
	vm11 =	veq.s32 v7, $0x7;
	v10 =	vadd.f32 v14, v11  }
0x28: {  	v7 =	vnsel vm12, $0x0, v3;
	v11 =	vnsel vm8, $0x0, v5;
	vm8 =	veq.s32 v6, $0x6  }
0x29: {  	v19 =	vnsel vm11, $0x0, v5;
	v14 =	vnsel vm10, $0x0, v5;
	[tilespmem:$0x170] =	vst v10;
	v10 =	vnsel vm5, $0x0, v5  }
0x2a: {  	v21 =	vnsel vm3, $0x0, v5;
	vm3 =	veq.s32 v6, $0x7;
	v20 =	vnsel vm9, $0x0, v5  }
0x2b: {  	v7 =	vadd.f32 v7, v20;
	v18 =	vadd.f32 v18, v21;
	vm5 =	veq.s32 v6, $0x5  }
0x2c: {  	vm9 =	veq.s32 v6, $0x0;
	v20 =	vnsel vm4, $0x0, v5;
	v6 =	vnsel vm7, $0x0, v3  }
0x2d: {  	v5 =	vnsel vm2, $0x0, v5;
	v6 =	vadd.f32 v6, v14;
	[tilespmem:$0x160] =	vst v7;
	v7 =	vnsel vm3, $0x0, v3  }
0x2e: {  	v14 =	vnsel vm1, $0x0, v1;
	[tilespmem:$0x180] =	vst v18;
	v18 =	vnsel vm8, $0x0, v3;
	v7 =	vadd.f32 v7, v19  }
0x2f: {  	v8 =	vadd.f32 v17, v8;
	[tilespmem:$0x120] =	vst v6;
	v6 =	vnsel vm5, $0x0, v3;
	v11 =	vadd.f32 v18, v11  }
0x30: {  	v17 =	vnsel vm9, $0x0, v3;
	v3 =	vnsel vm6, $0x0, v3;
	v6 =	vadd.f32 v6, v10;
	[tilespmem:$0x1E0] =	vst v7  }
0x31: {  	v7 =	vadd.f32 v16, v12;
	v3 =	vadd.f32 v3, v20;
	v10 =	vnsel vm0, $0x0, v1;
	[tilespmem:$0x1C0] =	vst v11  }
0x32: {  	v4 =	vadd.f32 v14, v4;
	[tilespmem:$0x110] =	vst v8;
	v8 =	vadd.f32 v10, v9  }
0x33: {  	v5 =	vadd.f32 v17, v5;
	v9 =	vadd.f32 v15, v13;
	[tilespmem:$0x1A0] =	vst v6  }
0x34: {  	[tilespmem:$0x130] =	vst v7  }
0x35: {  	[tilespmem:$0x1B0] =	vst v8  }
0x36: {  	vm0 =	veq.s32 v0, $0x7;
	[tilespmem:$0x150] =	vst v9  }
0x37: {  	v0 =	vnsel vm0, $0x0, v1;
	[tilespmem:$0x190] =	vst v4  }
0x38: {  	v0 =	vadd.f32 v0, v2;
	[tilespmem:$0x100] =	vst v5  }
0x39: {  	[tilespmem:$0x140] =	vst v3  }
0x3a: {  	[tilespmem:$0x1F0] =	vst v0  }
0x3b: {  	[hbm4b:s2+s4] =	stream.linear.scatter [tilespmem:s5], [sflag:$0x1], $0x100, $0x38;
	[tilespmem:$0x200] =	vst v63  }
0x3c: {  	_ =	swait.ge [sflag:s3], $0x100  }
0x3d: {  	[sflag:s3] =	ssyncset.done $0x0  }
0x3e: {  	[sflag:s3] =	ssyncadd.s32 $0xFFFFFF00  }
0x3f: {  	[tilespmem:s4], [sflag:$0x1] =	stream.linear.gather [hbm4b:s6+s4], $0x80, $0x38;
	[tilespmem:$0x200] =	vst v63  }
0x40: {  	_ =	swait.ge [sflag:s3], $0x80  }
0x41: {  	[sflag:s3] =	ssyncset.done $0x0  }
0x42: {  	[sflag:s3] =	ssyncadd.s32 $0xFFFFFF80  }
0x43: {  	[tilespmem:s8], [sflag:$0x1] =	stream.linear.gather [hbm4b:s7+s4], $0x80, $0x38;
	[tilespmem:$0x200] =	vst v63  }
0x44: {  	_ =	swait.ge [sflag:s3], $0x80  }
0x45: {  	[sflag:s3] =	ssyncset.done $0x0  }
0x46: {  	[sflag:s3] =	ssyncadd.s32 $0xFFFFFF80  }
0x47: {  	v10 =	vld [tilespmem:$0x10]  }
0x48: {  	v0 =	vld [tilespmem:$0x30]  }
0x49: {  	v1 =	vld [tilespmem:$0x90]  }
0x4a: {  	v2 =	vld [tilespmem:$0x80]  }
0x4b: {  	v7 =	vld [tilespmem:$0x0]  }
0x4c: {  	v6 =	vld [tilespmem:$0x20]  }
0x4d: {  	vm6 =	veq.s32 v0, $0x2;
	vm7 =	veq.s32 v0, $0x3;
	vm0 =	veq.s32 v0, $0x5  }
0x4e: {  	vm5 =	veq.s32 v10, $0x0;
	vm9 =	veq.s32 v10, $0x1;
	vm1 =	veq.s32 v0, $0x4;
	v3 =	vld [tilespmem:$0xA0]  }
.Ltmp2:
0x4f: {  	vm2 =	veq.s32 v0, $0x1;
	v9 =	vadd.f32 $0.0e+00, v1;
	v5 =	vadd.f32 $0.0e+00, v2;
	(pc) =	sbr.rel @p0 .LBB2_2-.Ltmp2, $4  }
0x50: {  	vm8 =	veq.s32 v10, $0x3;
	vm4 =	veq.s32 v10, $0x4;
	vm3 =	veq.s32 v7, $0x4  }
0x51: {  	vm10 =	veq.s32 v10, $0x6;
	v4 =	vnsel vm4, $0x0, v9;
	vm4 =	veq.s32 v10, $0x5;
	v1 =	vld [tilespmem:$0xB0]  }
0x52: {  	vm11 =	veq.s32 v10, $0x7;
	v8 =	vnsel vm5, $0x0, v9;
	vm5 =	veq.s32 v7, $0x5  }
0x53: {  	v11 =	vnsel vm8, $0x0, v9;
	vm8 =	veq.s32 v7, $0x6;
	v2 =	vnsel vm11, $0x0, v9  }
.LBB2_3:
0x54: {  	vm11 =	veq.s32 v0, $0x0  }
0x55: {  	v12 =	vnsel vm9, $0x0, v9;
	vm9 =	veq.s32 v7, $0x3;
	vm12 =	veq.s32 v10, $0x2  }
0x56: {  	v39 =	vnsel vm10, $0x0, v9;
	vm13 =	veq.s32 v0, $0x6;
	v19 =	vnsel vm3, $0x0, v5  }
0x57: {  	v47 =	vnsel vm8, $0x0, v5;
	v50 =	vnsel vm5, $0x0, v5;
	v53 =	vnsel vm4, $0x0, v9  }
0x58: {  	v13 =	vnsel vm12, $0x0, v9;
	vm14 =	veq.s32 v6, $0x4;
	vm15 =	veq.s32 v6, $0x3  }
0x59: {  	vm12 =	veq.s32 v7, $0x1;
	v18 =	vnsel vm9, $0x0, v5;
	v16 =	vnsel vm13, $0x0, v1  }
0x5a: {  	vm9 =	veq.s32 v6, $0x7;
	v14 =	vnsel vm7, $0x0, v1;
	v10 =	vadd.f32 v16, v39  }
0x5b: {  	vm10 =	veq.s32 v6, $0x2;
	v17 =	vnsel vm11, $0x0, v1;
	v11 =	vadd.f32 v14, v11  }
0x5c: {  	v15 =	vnsel vm6, $0x0, v1;
	v52 =	vnsel vm2, $0x0, v1;
	v8 =	vadd.f32 v17, v8;
	[tilespmem:$0x1D0] =	vst v10  }
0x5d: {  	vm13 =	veq.s32 v6, $0x1;
	v55 =	vnsel vm0, $0x0, v1;
	v54 =	vadd.f32 v52, v12;
	[tilespmem:$0x170] =	vst v11  }
0x5e: {  	v42 =	vnsel vm12, $0x0, v5;
	vm11 =	veq.s32 v6, $0x5;
	v56 =	vadd.f32 v55, v53;
	[tilespmem:$0x110] =	vst v8  }
0x5f: {  	vm12 =	veq.s32 v7, $0x0;
	v57 =	vnsel vm1, $0x0, v1;
	v58 =	vadd.f32 v15, v13;
	[tilespmem:$0x130] =	vst v54  }
0x60: {  	v59 =	vnsel vm12, $0x0, v5;
	v4 =	vadd.f32 v57, v4;
	v41 =	vnsel vm15, $0x0, v3;
	[tilespmem:$0x1B0] =	vst v56  }
0x61: {  	v40 =	vnsel vm14, $0x0, v3;
	vm14 =	veq.s32 v7, $0x7;
	v14 =	vadd.f32 v41, v18;
	[tilespmem:$0x150] =	vst v58  }
0x62: {  	vm15 =	veq.s32 v6, $0x6;
	v44 =	vnsel vm13, $0x0, v3;
	v43 =	vadd.f32 v40, v19;
	[tilespmem:$0x190] =	vst v4  }
0x63: {  	v46 =	vnsel vm9, $0x0, v3;
	v51 =	vnsel vm11, $0x0, v3;
	v10 =	vadd.f32 v44, v42;
	[tilespmem:$0x160] =	vst v14  }
0x64: {  	vm13 =	veq.s32 v7, $0x2;
	v48 =	vnsel vm15, $0x0, v3;
	v11 =	vadd.f32 v51, v50;
	[tilespmem:$0x180] =	vst v43  }
0x65: {  	v61 =	vnsel vm10, $0x0, v3;
	v7 =	vnsel vm13, $0x0, v5;
	v49 =	vadd.f32 v48, v47;
	[tilespmem:$0x120] =	vst v10  }
0x66: {  	v45 =	vnsel vm14, $0x0, v5;
	vm14 =	veq.s32 v6, $0x0;
	v62 =	vadd.f32 v61, v7;
	[tilespmem:$0x1A0] =	vst v11  }
0x67: {  	vm15 =	veq.s32 v0, $0x7;
	v60 =	vnsel vm14, $0x0, v3;
	v14 =	vadd.f32 v46, v45;
	[tilespmem:$0x1C0] =	vst v49  }
0x68: {  	v63 =	vnsel vm15, $0x0, v1;
	v5 =	vadd.f32 v60, v59;
	[tilespmem:$0x140] =	vst v62  }
0x69: {  	v1 =	vadd.f32 v63, v2;
	[tilespmem:$0x1E0] =	vst v14  }
0x6a: {  	[tilespmem:$0x100] =	vst v5  }
0x6b: {  	[tilespmem:$0x1F0] =	vst v1  }
0x6c: {  	[hbm4b:s2+s4] =	stream.linear.scatter [tilespmem:s5], [sflag:$0x1], $0x100, $0x38;
	[tilespmem:$0x200] =	vst v63  }
0x6d: {  	_ =	swait.ge [sflag:s3], $0x100  }
0x6e: {  	[sflag:s3] =	ssyncset.done $0x0  }
0x6f: {  	[sflag:s3] =	ssyncadd.s32 $0xFFFFFF00  }
.LBB2_4:
0x70: {  	_ =	sfence.sel $0x180000  }
0x71: {  	[bflag:$0x0] =	sbarrier.arrive $0xFFFF  }
0x72: {  	p0 =	sne.s32 s0, $0x0;
	_ =	strace $0x90000047  }
0x73: {  	s0 =	sadd.s32 @!p0 $0x100000, s1;
	[bflag:$0x2] =	sbarrier.arrive $0xFFFF  }
0x74: {  	[sflag:s0] =	ssyncadd.tile.s32 @!p0 $0x1;
	_ =	shalt  }
.Lfunc_end2:
_tile_overlayer_lowered:
.L_overlay_start_2:
0x75: {  	(tag) =	ssettag $0x2  }
0x76: {  	s0 =	rddreg [dreg:$0x0];
	s2 =	stileid.u32  }
0x77: {  	s1 =	rddreg [dreg:$0x1];
	p0 =	sne.s32 s2, $0x0  }
0x78: {  	s3 =	rddreg [dreg:$0x2];
	[bflag:$0x3] =	sbarrier.arrive $0xFFFF;
	s2 =	simm.s32 @!p0 $0x1C01  }
0x79: {  	[timem:s3], [sflag:s2] =	dma.local @!p0 [hbm:s0], s1  }
0x7a: {  	s0 =	simm.s32 @!p0 $0x1  }
0x7b: {  	_ =	swait.ge @!p0 [sflag:s0], s1  }
0x7c: {  	s1 =	ssub.s32 @!p0 $0x0, s1;
	[sflag:s0] =	ssyncset.done @!p0 $0x0  }
0x7d: {  	[sflag:s0] =	ssyncadd.s32 @!p0 s1  }
0x7e: {  	[bflag:$0x3] =	sbarrier.arrive $0xFFFF  }
0x7f: {  	_ =	shalt  }

</sc_bundles>
